<compile_context>
chip_gen: v7x
topology: tpu7x:2x2x1
jax: 0.10.2.dev20260603
libtpu: 0.0.44.dev20260713+nightly
codegen_flags: <defaults>
</compile_context>

<pallas_src>
import functools

import jax
import jax.numpy as jnp
from jax import lax
from jax.experimental import pallas as pl
from jax.experimental.pallas import tpu as pltpu
from jax.experimental.pallas import tpu_sc as plsc

_LANES = 16
_CHUNK = 8
_NBUF = 2


def _connector_sc(x_flat, indices, *, n_rows, n_idx, d):
    num_workers = 32
    rows_per_batch = n_rows // num_workers
    n_chunks = n_idx // _CHUNK
    assert n_chunks % _NBUF == 0 and n_chunks >= 2 * _NBUF
    mesh = plsc.VectorSubcoreMesh(core_axis_name="c", subcore_axis_name="s")

    @functools.partial(
        pl.kernel,
        mesh=mesh,
        out_type=jax.ShapeDtypeStruct((num_workers * n_idx, d), jnp.float32),
        scratch_types=[
            pltpu.VMEM((n_idx,), jnp.int32),
            pltpu.VMEM((_NBUF, _CHUNK, d), jnp.float32),
            pltpu.SemaphoreType.DMA,
            pltpu.SemaphoreType.DMA,
        ],
    )
    def k(x_hbm, idx_hbm, out_hbm, idx_v, rows_v, gsem, ssem):
        wid = lax.axis_index("s") * 2 + lax.axis_index("c")
        pltpu.sync_copy(idx_hbm, idx_v)
        row_base = wid * rows_per_batch
        for i in range(n_idx // _LANES):
            sl = pl.ds(i * _LANES, _LANES)
            idx_v[sl] = idx_v[sl] + row_base

        out_base = wid * n_idx

        def gather(c, buf):
            return pltpu.async_copy(
                x_hbm.at[idx_v.at[pl.ds(c * _CHUNK, _CHUNK)]],
                rows_v.at[buf],
                gsem,
            )

        def scatter(c, buf):
            return pltpu.async_copy(
                rows_v.at[buf],
                out_hbm.at[pl.ds(out_base + c * _CHUNK, _CHUNK)],
                ssem,
            )

        def wait_gather(buf):
            pltpu.make_async_copy(x_hbm.at[pl.ds(0, _CHUNK)], rows_v.at[buf], gsem).wait()

        def wait_scatter(buf):
            pltpu.make_async_copy(
                rows_v.at[buf], out_hbm.at[pl.ds(out_base, _CHUNK)], ssem
            ).wait()

        for b in range(_NBUF):
            gather(b, b)

        @pl.loop(0, n_chunks - _NBUF, step=_NBUF)
        def _(c0):
            for b in range(_NBUF):
                c = c0 + b
                wait_gather(b)
                scatter(c, b)
                wait_scatter(b)
                gather(c + _NBUF, b)

        for b in range(_NBUF):
            c = n_chunks - _NBUF + b
            wait_gather(b)
            scatter(c, b)
        for b in range(_NBUF):
            wait_scatter(b)

    return k(x_flat, indices)


def kernel(x, indices):
    b, c, d = x.shape
    (n_idx,) = indices.shape
    x_flat = x.reshape(b * c, d)
    out_flat = _connector_sc(x_flat, indices, n_rows=b * c, n_idx=n_idx, d=d)
    return out_flat.reshape(b, n_idx, d)

# --- scband reference (transcript-rebuilt; emitter-appended) ---
"""Pipeline reference for scband-connector-51737176048477 (READ-ONLY COPY).

The authoritative reference and input builder live on the scoring server;
editing this copy changes nothing except your own understanding.
"""

import jax, jax.numpy as jnp
import numpy as np


def setup_inputs(seed: int = 0) -> dict:
    key = jax.random.key(seed)
    kx, ki = jax.random.split(key)
    x = jax.random.normal(kx, (32, 128, 4096), dtype=jnp.float32)
    indices = jax.random.randint(ki, (64,), 0, 128, dtype=jnp.int32)
    return {"x": x, "indices": indices}


def reference(x, indices):
    # Connector.forward: reorder/select channels (dim 1) per precomputed indices.
    # x[:, self.indices, :] -> gather along axis 1
    return jnp.take(x, indices, axis=1)

if __name__ == "__main__":
    import jax
    _d = setup_inputs()
    print(jax.jit(kernel)(*tuple(_d.values())))

</pallas_src>

<mosaic_0001>
#map = affine_map<(d0, d1) -> (0, 0)>
#map1 = affine_map<(d0, d1) -> (0)>
module attributes {stable_mosaic.version = 14 : i64} {
  func.func @k(%arg0: i32, %arg1: i32, %arg2: memref<4096x4096xf32, #tpu.memory_space<hbm>>, %arg3: memref<64xi32, #tpu.memory_space<hbm>>, %arg4: memref<2048x4096xf32, #tpu.memory_space<hbm>>, %arg5: memref<64xi32, #tpu.memory_space<vmem>>, %arg6: memref<2x8x4096xf32, #tpu.memory_space<vmem>>, %arg7: memref<!tpu.dma_semaphore, #tpu.memory_space<semaphore_mem>>, %arg8: memref<!tpu.dma_semaphore, #tpu.memory_space<semaphore_mem>>) attributes {dimension_semantics = [#tpu.dimension_semantics<core_parallel>, #tpu.dimension_semantics<subcore_parallel>], iteration_bounds = array<i64: 2, 16>, scalar_prefetch = 0 : i64, scratch_operands = 4 : i64, tpu.core_type = #tpu.core_type<sc_vector_subcore>, window_params = [{transform_indices = #map}, {transform_indices = #map1}, {transform_indices = #map}]} {
    %mul3A = arith.constant 2 : i32
    %mul3A_0 = arith.muli %arg1, %mul3A : i32
    %add3A = arith.addi %mul3A_0, %arg0 : i32
    "tpu.region"() ({
      %run_scoped3A = tpu.sem_alloc : memref<!tpu.dma_semaphore, #tpu.memory_space<semaphore_mem>>
      tpu.enqueue_dma source(%arg3 : memref<64xi32, #tpu.memory_space<hbm>>) target(%arg5 : memref<64xi32, #tpu.memory_space<vmem>>) target_semaphore(%run_scoped3A : memref<!tpu.dma_semaphore, #tpu.memory_space<semaphore_mem>>)
      tpu.wait_dma2 semaphore(%run_scoped3A : memref<!tpu.dma_semaphore, #tpu.memory_space<semaphore_mem>>) src(%arg3 : memref<64xi32, #tpu.memory_space<hbm>>) dst(%arg5 : memref<64xi32, #tpu.memory_space<vmem>>)
      tpu.yield
    }) : () -> ()
    %mul3A_1 = arith.constant 128 : i32
    %mul3A_2 = arith.muli %add3A, %mul3A_1 : i32
    %get3A = arith.constant 0 : index
    %get3A_3 = tpu.vector_load %arg5[%get3A] {strides = array<i32>} : memref<64xi32, #tpu.memory_space<vmem>>, vector<16xi32>,
    %get3A_4 = vector.shape_cast %get3A_3 : vector<16xi32> to vector<16xi32>
    %add3A_5 = vector.broadcast %mul3A_2 : i32 to vector<16xi32>
    %add3A_6 = arith.addi %get3A_4, %add3A_5 : vector<16xi32>
    %swap3A = arith.constant 0 : index
    %swap3A_7 = tpu.vector_load %arg5[%swap3A] {strides = array<i32>} : memref<64xi32, #tpu.memory_space<vmem>>, vector<16xi32>,
    %swap3A_8 = vector.shape_cast %swap3A_7 : vector<16xi32> to vector<16xi32>
    %swap3A_9 = vector.shape_cast %add3A_6 : vector<16xi32> to vector<16xi32>
    tpu.vector_store %arg5[%swap3A], %swap3A_9 {strides = array<i32>} : memref<64xi32, #tpu.memory_space<vmem>>, vector<16xi32>,
    %get3A_10 = arith.constant 16 : index
    %get3A_11 = tpu.vector_load %arg5[%get3A_10] {strides = array<i32>} : memref<64xi32, #tpu.memory_space<vmem>>, vector<16xi32>,
    %get3A_12 = vector.shape_cast %get3A_11 : vector<16xi32> to vector<16xi32>
    %add3A_13 = vector.broadcast %mul3A_2 : i32 to vector<16xi32>
    %add3A_14 = arith.addi %get3A_12, %add3A_13 : vector<16xi32>
    %swap3A_15 = arith.constant 16 : index
    %swap3A_16 = tpu.vector_load %arg5[%swap3A_15] {strides = array<i32>} : memref<64xi32, #tpu.memory_space<vmem>>, vector<16xi32>,
    %swap3A_17 = vector.shape_cast %swap3A_16 : vector<16xi32> to vector<16xi32>
    %swap3A_18 = vector.shape_cast %add3A_14 : vector<16xi32> to vector<16xi32>
    tpu.vector_store %arg5[%swap3A_15], %swap3A_18 {strides = array<i32>} : memref<64xi32, #tpu.memory_space<vmem>>, vector<16xi32>,
    %get3A_19 = arith.constant 32 : index
    %get3A_20 = tpu.vector_load %arg5[%get3A_19] {strides = array<i32>} : memref<64xi32, #tpu.memory_space<vmem>>, vector<16xi32>,
    %get3A_21 = vector.shape_cast %get3A_20 : vector<16xi32> to vector<16xi32>
    %add3A_22 = vector.broadcast %mul3A_2 : i32 to vector<16xi32>
    %add3A_23 = arith.addi %get3A_21, %add3A_22 : vector<16xi32>
    %swap3A_24 = arith.constant 32 : index
    %swap3A_25 = tpu.vector_load %arg5[%swap3A_24] {strides = array<i32>} : memref<64xi32, #tpu.memory_space<vmem>>, vector<16xi32>,
    %swap3A_26 = vector.shape_cast %swap3A_25 : vector<16xi32> to vector<16xi32>
    %swap3A_27 = vector.shape_cast %add3A_23 : vector<16xi32> to vector<16xi32>
    tpu.vector_store %arg5[%swap3A_24], %swap3A_27 {strides = array<i32>} : memref<64xi32, #tpu.memory_space<vmem>>, vector<16xi32>,
    %get3A_28 = arith.constant 48 : index
    %get3A_29 = tpu.vector_load %arg5[%get3A_28] {strides = array<i32>} : memref<64xi32, #tpu.memory_space<vmem>>, vector<16xi32>,
    %get3A_30 = vector.shape_cast %get3A_29 : vector<16xi32> to vector<16xi32>
    %add3A_31 = vector.broadcast %mul3A_2 : i32 to vector<16xi32>
    %add3A_32 = arith.addi %get3A_30, %add3A_31 : vector<16xi32>
    %swap3A_33 = arith.constant 48 : index
    %swap3A_34 = tpu.vector_load %arg5[%swap3A_33] {strides = array<i32>} : memref<64xi32, #tpu.memory_space<vmem>>, vector<16xi32>,
    %swap3A_35 = vector.shape_cast %swap3A_34 : vector<16xi32> to vector<16xi32>
    %swap3A_36 = vector.shape_cast %add3A_32 : vector<16xi32> to vector<16xi32>
    tpu.vector_store %arg5[%swap3A_33], %swap3A_36 {strides = array<i32>} : memref<64xi32, #tpu.memory_space<vmem>>, vector<16xi32>,
    %mul3A_37 = arith.constant 64 : i32
    %mul3A_38 = arith.muli %add3A, %mul3A_37 : i32
    %dma_start3A = arith.constant 0 : i32
    %dma_start3A_39 = arith.constant 0 : i32
    %dma_start3A_40 = arith.constant 0 : i32
    %dma_start3A_41 = tpu.memref_slice %arg6[%dma_start3A, %dma_start3A_39, %dma_start3A_40] : memref<2x8x4096xf32, #tpu.memory_space<vmem>> -> memref<1x8x4096xf32, #tpu.memory_space<vmem>>
    %dma_start3A_42 = tpu.memref_squeeze %dma_start3A_41 : memref<1x8x4096xf32, #tpu.memory_space<vmem>> -> memref<8x4096xf32, #tpu.memory_space<vmem>>
    %dma_start3A_43 = arith.constant 0 : i32
    %dma_start3A_44 = tpu.memref_slice %arg5[%dma_start3A_43] : memref<64xi32, #tpu.memory_space<vmem>> -> memref<8xi32, #tpu.memory_space<vmem>>
    %dma_start3A_45 = arith.constant 0 : i32
    %dma_start3A_46 = arith.constant 0 : i32
    %dma_start3A_47 = tpu.memref_slice %arg2[%dma_start3A_45, %dma_start3A_46] : memref<4096x4096xf32, #tpu.memory_space<hbm>> -> memref<4096x4096xf32, #tpu.memory_space<hbm>>
    tpu.enqueue_indirect_dma source(%dma_start3A_47 : memref<4096x4096xf32, #tpu.memory_space<hbm>>) target(%dma_start3A_42 : memref<8x4096xf32, #tpu.memory_space<vmem>>) offsets(%dma_start3A_44 : memref<8xi32, #tpu.memory_space<vmem>>) semaphore(%arg7 : memref<!tpu.dma_semaphore, #tpu.memory_space<semaphore_mem>>)
    %dma_start3A_48 = arith.constant 1 : i32
    %dma_start3A_49 = arith.constant 0 : i32
    %dma_start3A_50 = arith.constant 0 : i32
    %dma_start3A_51 = tpu.memref_slice %arg6[%dma_start3A_48, %dma_start3A_49, %dma_start3A_50] : memref<2x8x4096xf32, #tpu.memory_space<vmem>> -> memref<1x8x4096xf32, #tpu.memory_space<vmem>>
    %dma_start3A_52 = tpu.memref_squeeze %dma_start3A_51 : memref<1x8x4096xf32, #tpu.memory_space<vmem>> -> memref<8x4096xf32, #tpu.memory_space<vmem>>
    %dma_start3A_53 = arith.constant 8 : i32
    %dma_start3A_54 = tpu.memref_slice %arg5[%dma_start3A_53] : memref<64xi32, #tpu.memory_space<vmem>> -> memref<8xi32, #tpu.memory_space<vmem>>
    %dma_start3A_55 = arith.constant 0 : i32
    %dma_start3A_56 = arith.constant 0 : i32
    %dma_start3A_57 = tpu.memref_slice %arg2[%dma_start3A_55, %dma_start3A_56] : memref<4096x4096xf32, #tpu.memory_space<hbm>> -> memref<4096x4096xf32, #tpu.memory_space<hbm>>
    tpu.enqueue_indirect_dma source(%dma_start3A_57 : memref<4096x4096xf32, #tpu.memory_space<hbm>>) target(%dma_start3A_52 : memref<8x4096xf32, #tpu.memory_space<vmem>>) offsets(%dma_start3A_54 : memref<8xi32, #tpu.memory_space<vmem>>) semaphore(%arg7 : memref<!tpu.dma_semaphore, #tpu.memory_space<semaphore_mem>>)
    %scan3A = arith.constant 0 : i32
    %scan3A_58 = arith.constant 3 : i32
    %scan3A_59 = arith.addi %scan3A, %scan3A_58 : i32
    %scan3A_60 = arith.constant 1 : i32
    scf.for %scan3A_147 = %scan3A to %scan3A_59 step %scan3A_60  : i32 {
      %mul3A_148 = arith.constant 2 : i32
      %mul3A_149 = arith.muli %scan3A_147, %mul3A_148 : i32
      %add3A_150 = arith.constant 0 : i32
      %add3A_151 = arith.addi %add3A_150, %mul3A_149 : i32
      %add3A_152 = arith.constant 0 : i32
      %add3A_153 = arith.addi %add3A_151, %add3A_152 : i32
      %dma_wait3A_154 = arith.constant 0 : i32
      %dma_wait3A_155 = arith.constant 0 : i32
      %dma_wait3A_156 = arith.constant 0 : i32
      %dma_wait3A_157 = tpu.memref_slice %arg6[%dma_wait3A_154, %dma_wait3A_155, %dma_wait3A_156] : memref<2x8x4096xf32, #tpu.memory_space<vmem>> -> memref<1x8x4096xf32, #tpu.memory_space<vmem>>
      %dma_wait3A_158 = tpu.memref_squeeze %dma_wait3A_157 : memref<1x8x4096xf32, #tpu.memory_space<vmem>> -> memref<8x4096xf32, #tpu.memory_space<vmem>>
      %dma_wait3A_159 = arith.constant 0 : i32
      %dma_wait3A_160 = arith.constant 0 : i32
      %dma_wait3A_161 = tpu.memref_slice %arg2[%dma_wait3A_159, %dma_wait3A_160] : memref<4096x4096xf32, #tpu.memory_space<hbm>> -> memref<8x4096xf32, #tpu.memory_space<hbm>>
      %dma_wait3A_162 = arith.constant 0 : i32
      %dma_wait3A_163 = arith.constant 0 : i32
      %dma_wait3A_164 = tpu.memref_slice %arg6[%dma_wait3A_154, %dma_wait3A_162, %dma_wait3A_163] : memref<2x8x4096xf32, #tpu.memory_space<vmem>> -> memref<1x8x4096xf32, #tpu.memory_space<vmem>>
      %dma_wait3A_165 = tpu.memref_squeeze %dma_wait3A_164 : memref<1x8x4096xf32, #tpu.memory_space<vmem>> -> memref<8x4096xf32, #tpu.memory_space<vmem>>
      %dma_wait3A_166 = arith.constant 0 : i32
      %dma_wait3A_167 = arith.constant 0 : i32
      %dma_wait3A_168 = tpu.memref_slice %arg2[%dma_wait3A_166, %dma_wait3A_167] : memref<4096x4096xf32, #tpu.memory_space<hbm>> -> memref<8x4096xf32, #tpu.memory_space<hbm>>
      tpu.wait_dma2 semaphore(%arg7 : memref<!tpu.dma_semaphore, #tpu.memory_space<semaphore_mem>>) src(%dma_wait3A_168 : memref<8x4096xf32, #tpu.memory_space<hbm>>) dst(%dma_wait3A_165 : memref<8x4096xf32, #tpu.memory_space<vmem>>)
      %mul3A_169 = arith.constant 8 : i32
      %mul3A_170 = arith.muli %add3A_153, %mul3A_169 : i32
      %add3A_171 = arith.addi %mul3A_38, %mul3A_170 : i32
      %dma_start3A_172 = arith.constant 0 : i32
      %dma_start3A_173 = arith.constant 0 : i32
      %dma_start3A_174 = arith.constant 0 : i32
      %dma_start3A_175 = tpu.memref_slice %arg6[%dma_start3A_172, %dma_start3A_173, %dma_start3A_174] : memref<2x8x4096xf32, #tpu.memory_space<vmem>> -> memref<1x8x4096xf32, #tpu.memory_space<vmem>>
      %dma_start3A_176 = tpu.memref_squeeze %dma_start3A_175 : memref<1x8x4096xf32, #tpu.memory_space<vmem>> -> memref<8x4096xf32, #tpu.memory_space<vmem>>
      %dma_start3A_177 = arith.constant 0 : i32
      %dma_start3A_178 = tpu.memref_slice %arg4[%add3A_171, %dma_start3A_177] : memref<2048x4096xf32, #tpu.memory_space<hbm>> -> memref<8x4096xf32, #tpu.memory_space<hbm>>
      %dma_start3A_179 = arith.constant 0 : i32
      %dma_start3A_180 = tpu.memref_slice %arg4[%add3A_171, %dma_start3A_179] : memref<2048x4096xf32, #tpu.memory_space<hbm>> -> memref<8x4096xf32, #tpu.memory_space<hbm>>
      %dma_start3A_181 = arith.constant 0 : i32
      %dma_start3A_182 = arith.constant 0 : i32
      %dma_start3A_183 = tpu.memref_slice %arg6[%dma_start3A_172, %dma_start3A_181, %dma_start3A_182] : memref<2x8x4096xf32, #tpu.memory_space<vmem>> -> memref<1x8x4096xf32, #tpu.memory_space<vmem>>
      %dma_start3A_184 = tpu.memref_squeeze %dma_start3A_183 : memref<1x8x4096xf32, #tpu.memory_space<vmem>> -> memref<8x4096xf32, #tpu.memory_space<vmem>>
      tpu.enqueue_dma source(%dma_start3A_184 : memref<8x4096xf32, #tpu.memory_space<vmem>>) target(%dma_start3A_180 : memref<8x4096xf32, #tpu.memory_space<hbm>>) target_semaphore(%arg8 : memref<!tpu.dma_semaphore, #tpu.memory_space<semaphore_mem>>)
      %dma_wait3A_185 = arith.constant 0 : i32
      %dma_wait3A_186 = arith.constant 0 : i32
      %dma_wait3A_187 = arith.constant 0 : i32
      %dma_wait3A_188 = tpu.memref_slice %arg6[%dma_wait3A_185, %dma_wait3A_186, %dma_wait3A_187] : memref<2x8x4096xf32, #tpu.memory_space<vmem>> -> memref<1x8x4096xf32, #tpu.memory_space<vmem>>
      %dma_wait3A_189 = tpu.memref_squeeze %dma_wait3A_188 : memref<1x8x4096xf32, #tpu.memory_space<vmem>> -> memref<8x4096xf32, #tpu.memory_space<vmem>>
      %dma_wait3A_190 = arith.constant 0 : i32
      %dma_wait3A_191 = tpu.memref_slice %arg4[%mul3A_38, %dma_wait3A_190] : memref<2048x4096xf32, #tpu.memory_space<hbm>> -> memref<8x4096xf32, #tpu.memory_space<hbm>>
      %dma_wait3A_192 = arith.constant 0 : i32
      %dma_wait3A_193 = tpu.memref_slice %arg4[%mul3A_38, %dma_wait3A_192] : memref<2048x4096xf32, #tpu.memory_space<hbm>> -> memref<8x4096xf32, #tpu.memory_space<hbm>>
      %dma_wait3A_194 = arith.constant 0 : i32
      %dma_wait3A_195 = arith.constant 0 : i32
      %dma_wait3A_196 = tpu.memref_slice %arg6[%dma_wait3A_185, %dma_wait3A_194, %dma_wait3A_195] : memref<2x8x4096xf32, #tpu.memory_space<vmem>> -> memref<1x8x4096xf32, #tpu.memory_space<vmem>>
      %dma_wait3A_197 = tpu.memref_squeeze %dma_wait3A_196 : memref<1x8x4096xf32, #tpu.memory_space<vmem>> -> memref<8x4096xf32, #tpu.memory_space<vmem>>
      tpu.wait_dma2 semaphore(%arg8 : memref<!tpu.dma_semaphore, #tpu.memory_space<semaphore_mem>>) src(%dma_wait3A_197 : memref<8x4096xf32, #tpu.memory_space<vmem>>) dst(%dma_wait3A_193 : memref<8x4096xf32, #tpu.memory_space<hbm>>)
      %add3A_198 = arith.constant 2 : i32
      %add3A_199 = arith.addi %add3A_153, %add3A_198 : i32
      %mul3A_200 = arith.constant 8 : i32
      %mul3A_201 = arith.muli %add3A_199, %mul3A_200 : i32
      %dma_start3A_202 = arith.constant 0 : i32
      %dma_start3A_203 = arith.constant 0 : i32
      %dma_start3A_204 = arith.constant 0 : i32
      %dma_start3A_205 = tpu.memref_slice %arg6[%dma_start3A_202, %dma_start3A_203, %dma_start3A_204] : memref<2x8x4096xf32, #tpu.memory_space<vmem>> -> memref<1x8x4096xf32, #tpu.memory_space<vmem>>
      %dma_start3A_206 = tpu.memref_squeeze %dma_start3A_205 : memref<1x8x4096xf32, #tpu.memory_space<vmem>> -> memref<8x4096xf32, #tpu.memory_space<vmem>>
      %dma_start3A_207 = tpu.memref_slice %arg5[%mul3A_201] : memref<64xi32, #tpu.memory_space<vmem>> -> memref<8xi32, #tpu.memory_space<vmem>>
      %dma_start3A_208 = arith.constant 0 : i32
      %dma_start3A_209 = arith.constant 0 : i32
      %dma_start3A_210 = tpu.memref_slice %arg2[%dma_start3A_208, %dma_start3A_209] : memref<4096x4096xf32, #tpu.memory_space<hbm>> -> memref<4096x4096xf32, #tpu.memory_space<hbm>>
      tpu.enqueue_indirect_dma source(%dma_start3A_210 : memref<4096x4096xf32, #tpu.memory_space<hbm>>) target(%dma_start3A_206 : memref<8x4096xf32, #tpu.memory_space<vmem>>) offsets(%dma_start3A_207 : memref<8xi32, #tpu.memory_space<vmem>>) semaphore(%arg7 : memref<!tpu.dma_semaphore, #tpu.memory_space<semaphore_mem>>)
      %add3A_211 = arith.constant 1 : i32
      %add3A_212 = arith.addi %add3A_151, %add3A_211 : i32
      %dma_wait3A_213 = arith.constant 1 : i32
      %dma_wait3A_214 = arith.constant 0 : i32
      %dma_wait3A_215 = arith.constant 0 : i32
      %dma_wait3A_216 = tpu.memref_slice %arg6[%dma_wait3A_213, %dma_wait3A_214, %dma_wait3A_215] : memref<2x8x4096xf32, #tpu.memory_space<vmem>> -> memref<1x8x4096xf32, #tpu.memory_space<vmem>>
      %dma_wait3A_217 = tpu.memref_squeeze %dma_wait3A_216 : memref<1x8x4096xf32, #tpu.memory_space<vmem>> -> memref<8x4096xf32, #tpu.memory_space<vmem>>
      %dma_wait3A_218 = arith.constant 0 : i32
      %dma_wait3A_219 = arith.constant 0 : i32
      %dma_wait3A_220 = tpu.memref_slice %arg2[%dma_wait3A_218, %dma_wait3A_219] : memref<4096x4096xf32, #tpu.memory_space<hbm>> -> memref<8x4096xf32, #tpu.memory_space<hbm>>
      %dma_wait3A_221 = arith.constant 0 : i32
      %dma_wait3A_222 = arith.constant 0 : i32
      %dma_wait3A_223 = tpu.memref_slice %arg6[%dma_wait3A_213, %dma_wait3A_221, %dma_wait3A_222] : memref<2x8x4096xf32, #tpu.memory_space<vmem>> -> memref<1x8x4096xf32, #tpu.memory_space<vmem>>
      %dma_wait3A_224 = tpu.memref_squeeze %dma_wait3A_223 : memref<1x8x4096xf32, #tpu.memory_space<vmem>> -> memref<8x4096xf32, #tpu.memory_space<vmem>>
      %dma_wait3A_225 = arith.constant 0 : i32
      %dma_wait3A_226 = arith.constant 0 : i32
      %dma_wait3A_227 = tpu.memref_slice %arg2[%dma_wait3A_225, %dma_wait3A_226] : memref<4096x4096xf32, #tpu.memory_space<hbm>> -> memref<8x4096xf32, #tpu.memory_space<hbm>>
      tpu.wait_dma2 semaphore(%arg7 : memref<!tpu.dma_semaphore, #tpu.memory_space<semaphore_mem>>) src(%dma_wait3A_227 : memref<8x4096xf32, #tpu.memory_space<hbm>>) dst(%dma_wait3A_224 : memref<8x4096xf32, #tpu.memory_space<vmem>>)
      %mul3A_228 = arith.constant 8 : i32
      %mul3A_229 = arith.muli %add3A_212, %mul3A_228 : i32
      %add3A_230 = arith.addi %mul3A_38, %mul3A_229 : i32
      %dma_start3A_231 = arith.constant 1 : i32
      %dma_start3A_232 = arith.constant 0 : i32
      %dma_start3A_233 = arith.constant 0 : i32
      %dma_start3A_234 = tpu.memref_slice %arg6[%dma_start3A_231, %dma_start3A_232, %dma_start3A_233] : memref<2x8x4096xf32, #tpu.memory_space<vmem>> -> memref<1x8x4096xf32, #tpu.memory_space<vmem>>
      %dma_start3A_235 = tpu.memref_squeeze %dma_start3A_234 : memref<1x8x4096xf32, #tpu.memory_space<vmem>> -> memref<8x4096xf32, #tpu.memory_space<vmem>>
      %dma_start3A_236 = arith.constant 0 : i32
      %dma_start3A_237 = tpu.memref_slice %arg4[%add3A_230, %dma_start3A_236] : memref<2048x4096xf32, #tpu.memory_space<hbm>> -> memref<8x4096xf32, #tpu.memory_space<hbm>>
      %dma_start3A_238 = arith.constant 0 : i32
      %dma_start3A_239 = tpu.memref_slice %arg4[%add3A_230, %dma_start3A_238] : memref<2048x4096xf32, #tpu.memory_space<hbm>> -> memref<8x4096xf32, #tpu.memory_space<hbm>>
      %dma_start3A_240 = arith.constant 0 : i32
      %dma_start3A_241 = arith.constant 0 : i32
      %dma_start3A_242 = tpu.memref_slice %arg6[%dma_start3A_231, %dma_start3A_240, %dma_start3A_241] : memref<2x8x4096xf32, #tpu.memory_space<vmem>> -> memref<1x8x4096xf32, #tpu.memory_space<vmem>>
      %dma_start3A_243 = tpu.memref_squeeze %dma_start3A_242 : memref<1x8x4096xf32, #tpu.memory_space<vmem>> -> memref<8x4096xf32, #tpu.memory_space<vmem>>
      tpu.enqueue_dma source(%dma_start3A_243 : memref<8x4096xf32, #tpu.memory_space<vmem>>) target(%dma_start3A_239 : memref<8x4096xf32, #tpu.memory_space<hbm>>) target_semaphore(%arg8 : memref<!tpu.dma_semaphore, #tpu.memory_space<semaphore_mem>>)
      %dma_wait3A_244 = arith.constant 1 : i32
      %dma_wait3A_245 = arith.constant 0 : i32
      %dma_wait3A_246 = arith.constant 0 : i32
      %dma_wait3A_247 = tpu.memref_slice %arg6[%dma_wait3A_244, %dma_wait3A_245, %dma_wait3A_246] : memref<2x8x4096xf32, #tpu.memory_space<vmem>> -> memref<1x8x4096xf32, #tpu.memory_space<vmem>>
      %dma_wait3A_248 = tpu.memref_squeeze %dma_wait3A_247 : memref<1x8x4096xf32, #tpu.memory_space<vmem>> -> memref<8x4096xf32, #tpu.memory_space<vmem>>
      %dma_wait3A_249 = arith.constant 0 : i32
      %dma_wait3A_250 = tpu.memref_slice %arg4[%mul3A_38, %dma_wait3A_249] : memref<2048x4096xf32, #tpu.memory_space<hbm>> -> memref<8x4096xf32, #tpu.memory_space<hbm>>
      %dma_wait3A_251 = arith.constant 0 : i32
      %dma_wait3A_252 = tpu.memref_slice %arg4[%mul3A_38, %dma_wait3A_251] : memref<2048x4096xf32, #tpu.memory_space<hbm>> -> memref<8x4096xf32, #tpu.memory_space<hbm>>
      %dma_wait3A_253 = arith.constant 0 : i32
      %dma_wait3A_254 = arith.constant 0 : i32
      %dma_wait3A_255 = tpu.memref_slice %arg6[%dma_wait3A_244, %dma_wait3A_253, %dma_wait3A_254] : memref<2x8x4096xf32, #tpu.memory_space<vmem>> -> memref<1x8x4096xf32, #tpu.memory_space<vmem>>
      %dma_wait3A_256 = tpu.memref_squeeze %dma_wait3A_255 : memref<1x8x4096xf32, #tpu.memory_space<vmem>> -> memref<8x4096xf32, #tpu.memory_space<vmem>>
      tpu.wait_dma2 semaphore(%arg8 : memref<!tpu.dma_semaphore, #tpu.memory_space<semaphore_mem>>) src(%dma_wait3A_256 : memref<8x4096xf32, #tpu.memory_space<vmem>>) dst(%dma_wait3A_252 : memref<8x4096xf32, #tpu.memory_space<hbm>>)
      %add3A_257 = arith.constant 2 : i32
      %add3A_258 = arith.addi %add3A_212, %add3A_257 : i32
      %mul3A_259 = arith.constant 8 : i32
      %mul3A_260 = arith.muli %add3A_258, %mul3A_259 : i32
      %dma_start3A_261 = arith.constant 1 : i32
      %dma_start3A_262 = arith.constant 0 : i32
      %dma_start3A_263 = arith.constant 0 : i32
      %dma_start3A_264 = tpu.memref_slice %arg6[%dma_start3A_261, %dma_start3A_262, %dma_start3A_263] : memref<2x8x4096xf32, #tpu.memory_space<vmem>> -> memref<1x8x4096xf32, #tpu.memory_space<vmem>>
      %dma_start3A_265 = tpu.memref_squeeze %dma_start3A_264 : memref<1x8x4096xf32, #tpu.memory_space<vmem>> -> memref<8x4096xf32, #tpu.memory_space<vmem>>
      %dma_start3A_266 = tpu.memref_slice %arg5[%mul3A_260] : memref<64xi32, #tpu.memory_space<vmem>> -> memref<8xi32, #tpu.memory_space<vmem>>
      %dma_start3A_267 = arith.constant 0 : i32
      %dma_start3A_268 = arith.constant 0 : i32
      %dma_start3A_269 = tpu.memref_slice %arg2[%dma_start3A_267, %dma_start3A_268] : memref<4096x4096xf32, #tpu.memory_space<hbm>> -> memref<4096x4096xf32, #tpu.memory_space<hbm>>
      tpu.enqueue_indirect_dma source(%dma_start3A_269 : memref<4096x4096xf32, #tpu.memory_space<hbm>>) target(%dma_start3A_265 : memref<8x4096xf32, #tpu.memory_space<vmem>>) offsets(%dma_start3A_266 : memref<8xi32, #tpu.memory_space<vmem>>) semaphore(%arg7 : memref<!tpu.dma_semaphore, #tpu.memory_space<semaphore_mem>>)
    }
    %scan3A_61 = arith.constant 3 : i32
    %dma_wait3A = arith.constant 0 : i32
    %dma_wait3A_62 = arith.constant 0 : i32
    %dma_wait3A_63 = arith.constant 0 : i32
    %dma_wait3A_64 = tpu.memref_slice %arg6[%dma_wait3A, %dma_wait3A_62, %dma_wait3A_63] : memref<2x8x4096xf32, #tpu.memory_space<vmem>> -> memref<1x8x4096xf32, #tpu.memory_space<vmem>>
    %dma_wait3A_65 = tpu.memref_squeeze %dma_wait3A_64 : memref<1x8x4096xf32, #tpu.memory_space<vmem>> -> memref<8x4096xf32, #tpu.memory_space<vmem>>
    %dma_wait3A_66 = arith.constant 0 : i32
    %dma_wait3A_67 = arith.constant 0 : i32
    %dma_wait3A_68 = tpu.memref_slice %arg2[%dma_wait3A_66, %dma_wait3A_67] : memref<4096x4096xf32, #tpu.memory_space<hbm>> -> memref<8x4096xf32, #tpu.memory_space<hbm>>
    %dma_wait3A_69 = arith.constant 0 : i32
    %dma_wait3A_70 = arith.constant 0 : i32
    %dma_wait3A_71 = tpu.memref_slice %arg6[%dma_wait3A, %dma_wait3A_69, %dma_wait3A_70] : memref<2x8x4096xf32, #tpu.memory_space<vmem>> -> memref<1x8x4096xf32, #tpu.memory_space<vmem>>
    %dma_wait3A_72 = tpu.memref_squeeze %dma_wait3A_71 : memref<1x8x4096xf32, #tpu.memory_space<vmem>> -> memref<8x4096xf32, #tpu.memory_space<vmem>>
    %dma_wait3A_73 = arith.constant 0 : i32
    %dma_wait3A_74 = arith.constant 0 : i32
    %dma_wait3A_75 = tpu.memref_slice %arg2[%dma_wait3A_73, %dma_wait3A_74] : memref<4096x4096xf32, #tpu.memory_space<hbm>> -> memref<8x4096xf32, #tpu.memory_space<hbm>>
    tpu.wait_dma2 semaphore(%arg7 : memref<!tpu.dma_semaphore, #tpu.memory_space<semaphore_mem>>) src(%dma_wait3A_75 : memref<8x4096xf32, #tpu.memory_space<hbm>>) dst(%dma_wait3A_72 : memref<8x4096xf32, #tpu.memory_space<vmem>>)
    %add3A_76 = arith.constant 48 : i32
    %add3A_77 = arith.addi %mul3A_38, %add3A_76 : i32
    %dma_start3A_78 = arith.constant 0 : i32
    %dma_start3A_79 = arith.constant 0 : i32
    %dma_start3A_80 = arith.constant 0 : i32
    %dma_start3A_81 = tpu.memref_slice %arg6[%dma_start3A_78, %dma_start3A_79, %dma_start3A_80] : memref<2x8x4096xf32, #tpu.memory_space<vmem>> -> memref<1x8x4096xf32, #tpu.memory_space<vmem>>
    %dma_start3A_82 = tpu.memref_squeeze %dma_start3A_81 : memref<1x8x4096xf32, #tpu.memory_space<vmem>> -> memref<8x4096xf32, #tpu.memory_space<vmem>>
    %dma_start3A_83 = arith.constant 0 : i32
    %dma_start3A_84 = tpu.memref_slice %arg4[%add3A_77, %dma_start3A_83] : memref<2048x4096xf32, #tpu.memory_space<hbm>> -> memref<8x4096xf32, #tpu.memory_space<hbm>>
    %dma_start3A_85 = arith.constant 0 : i32
    %dma_start3A_86 = tpu.memref_slice %arg4[%add3A_77, %dma_start3A_85] : memref<2048x4096xf32, #tpu.memory_space<hbm>> -> memref<8x4096xf32, #tpu.memory_space<hbm>>
    %dma_start3A_87 = arith.constant 0 : i32
    %dma_start3A_88 = arith.constant 0 : i32
    %dma_start3A_89 = tpu.memref_slice %arg6[%dma_start3A_78, %dma_start3A_87, %dma_start3A_88] : memref<2x8x4096xf32, #tpu.memory_space<vmem>> -> memref<1x8x4096xf32, #tpu.memory_space<vmem>>
    %dma_start3A_90 = tpu.memref_squeeze %dma_start3A_89 : memref<1x8x4096xf32, #tpu.memory_space<vmem>> -> memref<8x4096xf32, #tpu.memory_space<vmem>>
    tpu.enqueue_dma source(%dma_start3A_90 : memref<8x4096xf32, #tpu.memory_space<vmem>>) target(%dma_start3A_86 : memref<8x4096xf32, #tpu.memory_space<hbm>>) target_semaphore(%arg8 : memref<!tpu.dma_semaphore, #tpu.memory_space<semaphore_mem>>)
    %dma_wait3A_91 = arith.constant 1 : i32
    %dma_wait3A_92 = arith.constant 0 : i32
    %dma_wait3A_93 = arith.constant 0 : i32
    %dma_wait3A_94 = tpu.memref_slice %arg6[%dma_wait3A_91, %dma_wait3A_92, %dma_wait3A_93] : memref<2x8x4096xf32, #tpu.memory_space<vmem>> -> memref<1x8x4096xf32, #tpu.memory_space<vmem>>
    %dma_wait3A_95 = tpu.memref_squeeze %dma_wait3A_94 : memref<1x8x4096xf32, #tpu.memory_space<vmem>> -> memref<8x4096xf32, #tpu.memory_space<vmem>>
    %dma_wait3A_96 = arith.constant 0 : i32
    %dma_wait3A_97 = arith.constant 0 : i32
    %dma_wait3A_98 = tpu.memref_slice %arg2[%dma_wait3A_96, %dma_wait3A_97] : memref<4096x4096xf32, #tpu.memory_space<hbm>> -> memref<8x4096xf32, #tpu.memory_space<hbm>>
    %dma_wait3A_99 = arith.constant 0 : i32
    %dma_wait3A_100 = arith.constant 0 : i32
    %dma_wait3A_101 = tpu.memref_slice %arg6[%dma_wait3A_91, %dma_wait3A_99, %dma_wait3A_100] : memref<2x8x4096xf32, #tpu.memory_space<vmem>> -> memref<1x8x4096xf32, #tpu.memory_space<vmem>>
    %dma_wait3A_102 = tpu.memref_squeeze %dma_wait3A_101 : memref<1x8x4096xf32, #tpu.memory_space<vmem>> -> memref<8x4096xf32, #tpu.memory_space<vmem>>
    %dma_wait3A_103 = arith.constant 0 : i32
    %dma_wait3A_104 = arith.constant 0 : i32
    %dma_wait3A_105 = tpu.memref_slice %arg2[%dma_wait3A_103, %dma_wait3A_104] : memref<4096x4096xf32, #tpu.memory_space<hbm>> -> memref<8x4096xf32, #tpu.memory_space<hbm>>
    tpu.wait_dma2 semaphore(%arg7 : memref<!tpu.dma_semaphore, #tpu.memory_space<semaphore_mem>>) src(%dma_wait3A_105 : memref<8x4096xf32, #tpu.memory_space<hbm>>) dst(%dma_wait3A_102 : memref<8x4096xf32, #tpu.memory_space<vmem>>)
    %add3A_106 = arith.constant 56 : i32
    %add3A_107 = arith.addi %mul3A_38, %add3A_106 : i32
    %dma_start3A_108 = arith.constant 1 : i32
    %dma_start3A_109 = arith.constant 0 : i32
    %dma_start3A_110 = arith.constant 0 : i32
    %dma_start3A_111 = tpu.memref_slice %arg6[%dma_start3A_108, %dma_start3A_109, %dma_start3A_110] : memref<2x8x4096xf32, #tpu.memory_space<vmem>> -> memref<1x8x4096xf32, #tpu.memory_space<vmem>>
    %dma_start3A_112 = tpu.memref_squeeze %dma_start3A_111 : memref<1x8x4096xf32, #tpu.memory_space<vmem>> -> memref<8x4096xf32, #tpu.memory_space<vmem>>
    %dma_start3A_113 = arith.constant 0 : i32
    %dma_start3A_114 = tpu.memref_slice %arg4[%add3A_107, %dma_start3A_113] : memref<2048x4096xf32, #tpu.memory_space<hbm>> -> memref<8x4096xf32, #tpu.memory_space<hbm>>
    %dma_start3A_115 = arith.constant 0 : i32
    %dma_start3A_116 = tpu.memref_slice %arg4[%add3A_107, %dma_start3A_115] : memref<2048x4096xf32, #tpu.memory_space<hbm>> -> memref<8x4096xf32, #tpu.memory_space<hbm>>
    %dma_start3A_117 = arith.constant 0 : i32
    %dma_start3A_118 = arith.constant 0 : i32
    %dma_start3A_119 = tpu.memref_slice %arg6[%dma_start3A_108, %dma_start3A_117, %dma_start3A_118] : memref<2x8x4096xf32, #tpu.memory_space<vmem>> -> memref<1x8x4096xf32, #tpu.memory_space<vmem>>
    %dma_start3A_120 = tpu.memref_squeeze %dma_start3A_119 : memref<1x8x4096xf32, #tpu.memory_space<vmem>> -> memref<8x4096xf32, #tpu.memory_space<vmem>>
    tpu.enqueue_dma source(%dma_start3A_120 : memref<8x4096xf32, #tpu.memory_space<vmem>>) target(%dma_start3A_116 : memref<8x4096xf32, #tpu.memory_space<hbm>>) target_semaphore(%arg8 : memref<!tpu.dma_semaphore, #tpu.memory_space<semaphore_mem>>)
    %dma_wait3A_121 = arith.constant 0 : i32
    %dma_wait3A_122 = arith.constant 0 : i32
    %dma_wait3A_123 = arith.constant 0 : i32
    %dma_wait3A_124 = tpu.memref_slice %arg6[%dma_wait3A_121, %dma_wait3A_122, %dma_wait3A_123] : memref<2x8x4096xf32, #tpu.memory_space<vmem>> -> memref<1x8x4096xf32, #tpu.memory_space<vmem>>
    %dma_wait3A_125 = tpu.memref_squeeze %dma_wait3A_124 : memref<1x8x4096xf32, #tpu.memory_space<vmem>> -> memref<8x4096xf32, #tpu.memory_space<vmem>>
    %dma_wait3A_126 = arith.constant 0 : i32
    %dma_wait3A_127 = tpu.memref_slice %arg4[%mul3A_38, %dma_wait3A_126] : memref<2048x4096xf32, #tpu.memory_space<hbm>> -> memref<8x4096xf32, #tpu.memory_space<hbm>>
    %dma_wait3A_128 = arith.constant 0 : i32
    %dma_wait3A_129 = tpu.memref_slice %arg4[%mul3A_38, %dma_wait3A_128] : memref<2048x4096xf32, #tpu.memory_space<hbm>> -> memref<8x4096xf32, #tpu.memory_space<hbm>>
    %dma_wait3A_130 = arith.constant 0 : i32
    %dma_wait3A_131 = arith.constant 0 : i32
    %dma_wait3A_132 = tpu.memref_slice %arg6[%dma_wait3A_121, %dma_wait3A_130, %dma_wait3A_131] : memref<2x8x4096xf32, #tpu.memory_space<vmem>> -> memref<1x8x4096xf32, #tpu.memory_space<vmem>>
    %dma_wait3A_133 = tpu.memref_squeeze %dma_wait3A_132 : memref<1x8x4096xf32, #tpu.memory_space<vmem>> -> memref<8x4096xf32, #tpu.memory_space<vmem>>
    tpu.wait_dma2 semaphore(%arg8 : memref<!tpu.dma_semaphore, #tpu.memory_space<semaphore_mem>>) src(%dma_wait3A_133 : memref<8x4096xf32, #tpu.memory_space<vmem>>) dst(%dma_wait3A_129 : memref<8x4096xf32, #tpu.memory_space<hbm>>)
    %dma_wait3A_134 = arith.constant 1 : i32
    %dma_wait3A_135 = arith.constant 0 : i32
    %dma_wait3A_136 = arith.constant 0 : i32
    %dma_wait3A_137 = tpu.memref_slice %arg6[%dma_wait3A_134, %dma_wait3A_135, %dma_wait3A_136] : memref<2x8x4096xf32, #tpu.memory_space<vmem>> -> memref<1x8x4096xf32, #tpu.memory_space<vmem>>
    %dma_wait3A_138 = tpu.memref_squeeze %dma_wait3A_137 : memref<1x8x4096xf32, #tpu.memory_space<vmem>> -> memref<8x4096xf32, #tpu.memory_space<vmem>>
    %dma_wait3A_139 = arith.constant 0 : i32
    %dma_wait3A_140 = tpu.memref_slice %arg4[%mul3A_38, %dma_wait3A_139] : memref<2048x4096xf32, #tpu.memory_space<hbm>> -> memref<8x4096xf32, #tpu.memory_space<hbm>>
    %dma_wait3A_141 = arith.constant 0 : i32
    %dma_wait3A_142 = tpu.memref_slice %arg4[%mul3A_38, %dma_wait3A_141] : memref<2048x4096xf32, #tpu.memory_space<hbm>> -> memref<8x4096xf32, #tpu.memory_space<hbm>>
    %dma_wait3A_143 = arith.constant 0 : i32
    %dma_wait3A_144 = arith.constant 0 : i32
    %dma_wait3A_145 = tpu.memref_slice %arg6[%dma_wait3A_134, %dma_wait3A_143, %dma_wait3A_144] : memref<2x8x4096xf32, #tpu.memory_space<vmem>> -> memref<1x8x4096xf32, #tpu.memory_space<vmem>>
    %dma_wait3A_146 = tpu.memref_squeeze %dma_wait3A_145 : memref<1x8x4096xf32, #tpu.memory_space<vmem>> -> memref<8x4096xf32, #tpu.memory_space<vmem>>
    tpu.wait_dma2 semaphore(%arg8 : memref<!tpu.dma_semaphore, #tpu.memory_space<semaphore_mem>>) src(%dma_wait3A_146 : memref<8x4096xf32, #tpu.memory_space<vmem>>) dst(%dma_wait3A_142 : memref<8x4096xf32, #tpu.memory_space<hbm>>)
    return
  }
}

</mosaic_0001>

<sc_bundles>
// kernel: kernel.3.cloned.1.call-start
scs
__scs_entry_jumppad:
0x0: {  	(pc) =	sbr.rel $0x88, $3  }
0x1: {  	(tag) =	ssettag $0x0;
	lr =	simm.s32 $0x1  }
0x2: {  	[smem:$0x3F9F] =	sst lr;
	_ =	strace $0xD0000000  }
0x3: {  	_ = 	snop  }
0x4: {  	_ = 	snop  }
0x5: {  	_ = 	snop  }
0x6: {  	_ = 	snop  }
0x7: {  	_ = 	snop  }
__scs_overlays_trampoline_lowered:
0x8: {  	[smem:$0x3FAE] =	sst s0  }
0x9: {  	[smem:$0x3FAF] =	sst s1  }
0xa: {  	[smem:$0x3FB0] =	sst s2  }
0xb: {  	[smem:$0x3FB1] =	sst s3  }
0xc: {  	[smem:$0x3FB2] =	sst s4  }
0xd: {  	[smem:$0x3FB3] =	sst s5  }
0xe: {  	[smem:$0x3FB4] =	sst s6  }
0xf: {  	[smem:$0x3FB5] =	sst s7  }
0x10: {  	[smem:$0x3FB6] =	sst s8  }
0x11: {  	[smem:$0x3FB7] =	sst s9;
	s0 =	simm.s32 @!p0 $0x0  }
0x12: {  	s1 =	sld [smem:$0x3F9D];
	s0 =	simm.s32 @p0 $0x1  }
0x13: {  	[smem:$0x3FB8] =	sst s0;
	s0 =	simm.s32 @!p1 $0x0  }
0x14: {  	s2 =	sld [smem:$0x3F9C];
	s0 =	simm.s32 @p1 $0x1  }
0x15: {  	[smem:$0x3FB9] =	sst s0;
	s0 =	simm.s32 @!p2 $0x0  }
0x16: {  	s3 =	sld [smem:$0x3FDB];
	s0 =	simm.s32 @p2 $0x1  }
0x17: {  	s4 =	simm.s32 $0x1BF5;
	[smem:$0x3FBB] =	sst s0  }
0x18: {  	s0 =	sld [smem:$0x3F9E];
	_ =	swait.ge [sflag:s4], $0x0  }
0x19: {  	s7 =	sld [smem:$0x3F9F]  }
0x1a: {  	s8 =	sadd.s32 $0xFFFFE003, lr  }
0x1b: {  	s9 =	sadd.s32 $0xFFFFFEF7, lr;
	s5 =	simm.s32 $0xFFFFFFFF;
	p2 =	slt.u32 s8, $0xFFFFF086  }
0x1c: {  	p1 =	slt.u32 s9, $0xF7A;
	s5 =	simm.s32 @!p2 $0x0  }
0x1d: {  	s5 =	simm.s32 @p1 $0x1;
	p0 =	seq.s32 s7, s2  }
0x1e: {  	s7 =	smul.u32 @!p0 $0xF7A, s2;
	p2 =	seq.s32 @!p0 s5, $0x0  }
0x1f: {  	s9 =	smul.u32 $0xF7A, s1;
	s8 =	simm.s32 @!p0 $0x1BF5;
	p2 =	por !p2, p0  }
0x20: {  	[sflag:s8] =	ssyncset.s32 @!p0 $0xFFFFF086;
	s6 =	sadd.s32 @!p0 s3, s7;
	s7 =	simm.s32 @!p0 $0x108  }
0x21: {  	s3 =	sadd.s32 s3, s9;
	s6 =	sadd.s32 @!p0 $0x88, s6;
	s7 =	simm.s32 @p2 $0x1082  }
0x22: {  	[simem:s7], [sflag:s8] =	dma.local @!p0 [hbm:s6], $0xF7A  }
0x23: {  	s9 =	sor.u32 $0xD0000000, s2;
	s6 =	simm.s32 $0x108;
	_ =	swait.ge @!p0 [sflag:s8], $0x0  }
0x24: {  	s3 =	sadd.s32 $0x88, s3;
	s6 =	simm.s32 @!p1 $0x1082;
	[sflag:s4] =	ssyncset.s32 $0xFFFFF086  }
0x25: {  	[simem:s6], [sflag:s4] =	dma.local [hbm:s3], $0xF7A  }
0x26: {  	[smem:$0x3F9F] =	sst s1;
	(tag) =	ssettag s2;
	_ =	strace s9  }
0x27: {  	s1 =	sld [smem:$0x3FAF]  }
0x28: {  	s2 =	sld [smem:$0x3FB0]  }
0x29: {  	s4 =	sld [smem:$0x3FB2]  }
0x2a: {  	p0 =	seq.s32 s5, $0x0;
	s5 =	sld [smem:$0x3FB3]  }
0x2b: {  	s6 =	sld [smem:$0x3FB4]  }
0x2c: {  	s7 =	sld [smem:$0x3FB5]  }
0x2d: {  	s3 =	simm.s32 $0x108;
	s8 =	sld [smem:$0x3FB6]  }
0x2e: {  	s3 =	simm.s32 @!p0 $0x1082;
	s9 =	sld [smem:$0x3FB7]  }
0x2f: {  	lr =	sadd.s32 s0, s3;
	s0 =	sld [smem:$0x3FAE]  }
0x30: {  	s3 =	sld [smem:$0x3FB1]  }
0x31: {  	[smem:$0x3FBA] =	sst s10  }
0x32: {  	s10 =	sld [smem:$0x3FB8];
	_ =	sdelay $0x3  }
0x33: {  	p0 =	seq.s32 s10, $0x1;
	s10 =	sld [smem:$0x3FBA];
	_ =	sdelay $0x3  }
0x34: {  	[smem:$0x3FBA] =	sst s10  }
0x35: {  	s10 =	sld [smem:$0x3FB9];
	_ =	sdelay $0x3  }
0x36: {  	p1 =	seq.s32 s10, $0x1;
	s10 =	sld [smem:$0x3FBA];
	_ =	sdelay $0x3  }
0x37: {  	[smem:$0x3FBA] =	sst s10  }
0x38: {  	s10 =	sld [smem:$0x3FBB]  }
0x39: {  	_ = 	snop;
	(pc) =	sbr.ind lr, $3  }
0x3a: {  	_ = 	snop  }
0x3b: {  	_ = 	snop  }
0x3c: {  	p2 =	seq.s32 s10, $0x1;
	s10 =	sld [smem:$0x3FBA]  }
0x3d: {  	_ =	shalt  }
0x3e: {  	_ =	shalt  }
0x3f: {  	_ =	shalt  }
0x40: {  	_ =	shalt  }
0x41: {  	_ =	shalt  }
0x42: {  	_ =	shalt  }
0x43: {  	_ =	shalt  }
0x44: {  	_ =	shalt  }
0x45: {  	_ =	shalt  }
0x46: {  	_ =	shalt  }
0x47: {  	_ =	shalt  }
0x48: {  	_ =	shalt  }
0x49: {  	_ =	shalt  }
0x4a: {  	_ =	shalt  }
0x4b: {  	_ =	shalt  }
0x4c: {  	_ =	shalt  }
0x4d: {  	_ =	shalt  }
0x4e: {  	_ =	shalt  }
0x4f: {  	_ =	shalt  }
0x50: {  	_ =	shalt  }
0x51: {  	_ =	shalt  }
0x52: {  	_ =	shalt  }
0x53: {  	_ =	shalt  }
0x54: {  	_ =	shalt  }
0x55: {  	_ =	shalt  }
0x56: {  	_ =	shalt  }
0x57: {  	_ =	shalt  }
0x58: {  	_ =	shalt  }
0x59: {  	_ =	shalt  }
0x5a: {  	_ =	shalt  }
0x5b: {  	_ =	shalt  }
0x5c: {  	_ =	shalt  }
0x5d: {  	_ =	shalt  }
0x5e: {  	_ =	shalt  }
0x5f: {  	_ =	shalt  }
0x60: {  	_ =	shalt  }
0x61: {  	_ =	shalt  }
0x62: {  	_ =	shalt  }
0x63: {  	_ =	shalt  }
0x64: {  	_ =	shalt  }
0x65: {  	_ =	shalt  }
0x66: {  	_ =	shalt  }
0x67: {  	_ =	shalt  }
0x68: {  	_ =	shalt  }
0x69: {  	_ =	shalt  }
0x6a: {  	_ =	shalt  }
0x6b: {  	_ =	shalt  }
0x6c: {  	_ =	shalt  }
0x6d: {  	_ =	shalt  }
0x6e: {  	_ =	shalt  }
0x6f: {  	_ =	shalt  }
0x70: {  	_ =	shalt  }
0x71: {  	_ =	shalt  }
0x72: {  	_ =	shalt  }
0x73: {  	_ =	shalt  }
0x74: {  	_ =	shalt  }
0x75: {  	_ =	shalt  }
0x76: {  	_ =	shalt  }
0x77: {  	_ =	shalt  }
0x78: {  	_ =	shalt  }
0x79: {  	_ =	shalt  }
0x7a: {  	_ =	shalt  }
0x7b: {  	_ =	shalt  }
0x7c: {  	_ =	shalt  }
0x7d: {  	_ =	shalt  }
0x7e: {  	_ =	shalt  }
0x7f: {  	_ =	shalt  }
0x80: {  	_ =	shalt  }
0x81: {  	_ =	shalt  }
0x82: {  	_ =	shalt  }
0x83: {  	_ =	shalt  }
0x84: {  	_ =	shalt  }
0x85: {  	_ =	shalt  }
0x86: {  	_ =	shalt  }
0x87: {  	_ =	shalt  }
.Lfunc_end0:
.L_simem_size_0:
called_computation_lowered:
.L_overlay_start_0:
0x88: {  	s2 =	sld [smem:$0x3FD9]  }
0x89: {  	s3 =	sld [smem:$0x3FFE];
	_ =	sdelay $0x1  }
0x8a: {  	s1 =	srdreg.scid  }
0x8b: {  	s0 =	sand.u32 $0x1, s1  }
0x8c: {  	s18 =	sshll.u32 s0, $0xA;
	s2 =	sadd.s32 s3, s2  }
0x8d: {  	s2 =	sadd.s32 s2, s18  }
0x8e: {  	[smem:$0x3FC6] =	sst s2  }
0x8f: {  	_ = 	snop  }
0x90: {  	s2 =	sld [smem:$0x3FC9]  }
0x91: {  	s19 =	sld [smem:$0x3FC8]  }
0x92: {  	s4 =	sld [smem:$0x3FD0];
	(tm) =	ssettm $0x1  }
0x93: {  	s5 =	sld [smem:$0x3FFB];
	_ =	sdelay $0x3  }
0x94: {  	_ =	strace s5  }
0x95: {  	s5 =	sld [smem:$0x3FFC];
	_ =	sdelay $0x3  }
0x96: {  	_ =	strace s5  }
0x97: {  	s5 =	sld [smem:$0x3FFD];
	_ =	sdelay $0x3  }
0x98: {  	_ =	strace s5  }
0x99: {  	_ =	strace $0x8FFFFFFF  }
0x9a: {  	s20 =	sld [smem:$0x3FDB];
	_ =	sdelay $0x1  }
0x9b: {  	s6 =	simm.s32 $_scs_section_size  }
0x9c: {  	s7 =	simm.s32 $_size__tile_overlayer_lowered;
	s8 =	simm.s32 $_tile_overlayer_lowered  }
0x9d: {  	s23 =	simm.s32 $0x1BFF;
	s22 =	sshll.u32 s8, $0x1;
	s5 =	sadd.s32 s6, s20  }
0x9e: {  	s9 =	simm.s32 $0x0;
	s21 =	sshll.u32 s7, $0x1;
	s7 =	sadd.s32 s22, s5  }
0x9f: {  	[timem:s9], [sflag:s23] =	dma.local [hbm:s7], s21  }
0xa0: {  	_ =	swait.ge [sflag:s23], s21  }
0xa1: {  	s6 =	ssub.s32 $0x0, s21;
	[sflag:s23] =	ssyncset.done $0x0  }
0xa2: {  	[sflag:s23] =	ssyncadd.s32 s6;
	_ =	sdelay $0x1  }
0xa3: {  	s24 =	simm.s32 $0x1B8B  }
0xa4: {  	_ =	swait.ge [sflag:s24], $0x1  }
0xa5: {  	[sflag:s24] =	ssyncset.done $0x0  }
0xa6: {  	s25 =	simm.s32 $0x1B8E;
	[sflag:s24] =	ssyncadd.s32 $0xFFFFFFFF  }
0xa7: {  	s26 =	simm.s32 $execute0_lowered;
	[smem:$0x3FD2] =	sst s25  }
0xa8: {  	s6 =	sshll.u32 s26, $0x1;
	_ =	strace $0x80000046;
	[dreg:$0x1] =	wrdreg $0xFFFFFFFF  }
0xa9: {  	s28 =	simm.s32 $_size_execute0_lowered;
	s5 =	sadd.s32 s5, s6;
	[dreg:$0x0] =	wrdreg $0x0  }
0xaa: {  	s6 =	sshll.u32 s28, $0x1;
	[dreg:$0x2] =	wrdreg s5  }
0xab: {  	[dreg:$0x3] =	wrdreg s6  }
0xac: {  	[dreg:$0x4] =	wrdreg $0xC0  }
0xad: {  	_ =	task [dreg:s9], $0x5FFFF  }
0xae: {  	[dreg:$0x1] =	wrdreg $0xFFFFFFFF  }
0xaf: {  	[dreg:$0x0] =	wrdreg $0x60  }
0xb0: {  	[dreg:$0x2] =	wrdreg s2  }
0xb1: {  	[dreg:$0x3] =	wrdreg s19  }
0xb2: {  	[dreg:$0x4] =	wrdreg s4  }
0xb3: {  	[dreg:$0x5] =	wrdreg $0x9  }
0xb4: {  	_ =	task.clear_ibuf [dreg:s9], $0x6FFFF;
	_ =	strace $0x90000046  }
0xb5: {  	s29 =	simm.s32 $0x9;
	_ =	strace $0x80000048  }
0xb6: {  	_ =	swait.ge [sflag:s29], $0x1  }
0xb7: {  	[sflag:s29] =	ssyncadd.s32 $0xFFFFFFFF  }
0xb8: {  	_ =	strace $0x90000048  }
0xb9: {  	_ =	sfence  }
0xba: {  	s30 =	sld [smem:$0x0];
	_ =	sdelay $0x2  }
0xbb: {  	s31 =	sshll.u32 s1, $0xD;
	s1 =	sshrl.u32 s1, $0x2  }
0xbc: {  	s3 =	sand.u32 $0x4000, s31;
	s1 =	sadd.s32 s1, s30  }
0xbd: {  	s0 =	sor.u32 s3, s0;
	s1 =	sshll.u32 s1, $0x11  }
0xbe: {  	s0 =	sor.u32 s1, s0  }
0xbf: {  	s0 =	sadd.s32 $0x8F2B, s0  }
0xc0: {  	[sflag:s0] =	ssyncadd.remote.s32 $0x1  }
0xc1: {  	_ =	sfence.sel $0xFFFF  }
0xc2: {  	[dreg:$0x0] =	wrdreg $0xFFFFFFFF;
	(pc) =	sbr.abs _section_cstart, $3  }
0xc3: {  	[dreg:$0x1] =	wrdreg $0xFFFFFFFF  }
0xc4: {  	_ =	task.clear_ibuf [dreg:s9], $0x2FFFF;
	_ =	strace $0x9FFFFFFF  }
0xc5: {  	(tm) =	ssettm $0x7FFFFFFF  }
tec
execute0_lowered:
.L_overlay_start_1:
0x0: {  	(tag) =	ssettag $0x1  }
0x1: {  	s30 =	rddreg [dreg:$0x0]  }
0x2: {  	s0 =	rddreg [dreg:$0x2];
	s2 =	srdreg.scid;
	s4 =	simm.s32 $0x0  }
0x3: {  	s21 =	stileid.u32;
	s29 =	simm.s32 $0x80;
	s23 =	simm.s32 $0x1880  }
0x4: {  	s28 =	simm.s32 $0x3080;
	s1 =	simm.s32 $0x4080;
	s31 =	simm.s32 $0x5080  }
0x5: {  	s2 =	sand.u32 $0x1, s2;
	[smem:$0x7FF] =	sst s4;
	s5 =	sshll.u32 s21, $0x1  }
0x6: {  	s7 =	sadd.s32 $0x300, s30;
	s8 =	sadd.s32 $0x400, s30;
	s9 =	sadd.s32 $0x500, s30  }
0x7: {  	s10 =	sadd.s32 $0x600, s30;
	s11 =	sadd.s32 $0x700, s30;
	s12 =	sadd.s32 $0x800, s30  }
0x8: {  	s13 =	sadd.s32 $0x900, s30;
	s14 =	sadd.s32 $0xA00, s30;
	s15 =	sadd.s32 $0xB00, s30  }
0x9: {  	s16 =	sadd.s32 $0xC00, s30;
	s17 =	sadd.s32 $0xD00, s30;
	s18 =	sadd.s32 $0xE00, s30  }
0xa: {  	s21 =	sshll.u32 s21, $0x10;
	s3 =	ssub.s32 $0x2, s2;
	_ =	strace $0x80000047  }
0xb: {  	s5 =	sor.u32 s2, s5;
	s2 =	sshll.u32 s2, $0xF;
	s6 =	sshrl.u32 s3, $0x1  }
0xc: {  	s20 =	sshll.u32 s5, $0x7;
	s19 =	sshll.u32 s5, $0xF;
	s5 =	sadd.s32 $0x100, s30  }
0xd: {  	s3 =	ssub.s32 s3, s6;
	s6 =	sadd.s32 $0x200, s30;
	s22 =	sadd.s32 s19, s0  }
0xe: {  	s0 =	sadd.s32 s21, s0;
	s19 =	sadd.s32 $0xF00, s30;
	v0 =	vmov s20;
	s20 =	simm.s32 $0x0  }
0xf: {  	s21 =	simm.s32 $0x1080;
	s24 =	sadd.s32 $0x6000, s22;
	[dreg:$0x8] =	wrdreg s20  }
0x10: {  	s0 =	sadd.s32 s2, s0;
	s25 =	sadd.s32 $0x7000, s22;
	[dreg:$0x4] =	wrdreg s24  }
0x11: {  	s26 =	smax.u32 s3, $0x1;
	s22 =	simm.s32 $0x8080;
	[dreg:$0x5] =	wrdreg s25  }
0x12: {  	v1 =	vlaneseq.u32;
	s3 =	simm.s32 $0x1;
	s2 =	simm.s32 $0x2;
	[dreg:$0x6] =	wrdreg s26  }
0x13: {  	v2 =	vshrl.u32 v1, $0x3;
	s0 =	sadd.s32 $0x1000, s0;
	s24 =	simm.s32 $0x2080;
	s26 =	simm.s32 $0x2880  }
0x14: {  	vm0 =	vmmov $0xffff;
	v1 =	vand.u32 $0x7, v1;
	v2 =	vmul.u32 $0x8, v2;
	s25 =	simm.s32 $0x4880;
	[dreg:$0x7] =	wrdreg s0;
	s0 =	simm.s32 $0x3880  }
.LBB2_1:
0x15: {  	s20 =	rddreg [dreg:$0x1]  }
0x16: {  	[tilespmem:s4], [sflag:$0x3] =	stream.linear.gather [hbm4b:s20+s4], $0x80, $0x38;
	[tilespmem:$0x10080] =	vst v63  }
0x17: {  	s20 =	simm.s32 $0x3  }
0x18: {  	_ =	swait.ge [sflag:s20], $0x80  }
0x19: {  	[sflag:s20] =	ssyncset.done $0x0  }
0x1a: {  	[sflag:s20] =	ssyncadd.s32 $0xFFFFFF80  }
0x1b: {  	v3 =	vld [tilespmem:$0x0];
	_ =	sdelay $0x4  }
0x1c: {  	v3 =	vadd.s32 v0, v3  }
0x1d: {  	[tilespmem:$0x0] =	vst v3  }
0x1e: {  	v3 =	vld.msk [tilespmem:$0x0], $0xff;
	_ =	sdelay $0x4  }
0x1f: {  	v4 =	vshll.u32 v3, $0x5  }
0x20: {  	v5 =	vld [tilespmem:$0x10];
	v3 =	vand.u32 $0x7, v3;
	v4 =	vand.u32 $0xFFFFFF00, v4  }
0x21: {  	v6 =	vld [tilespmem:$0x20];
	v3 =	vor.u32 v3, v4  }
0x22: {  	v61 =	vld [tilespmem:$0x30];
	v3 =	vperm.xlane v3, v1;
	_ =	sdelay $0x1  }
0x23: {  	v3 =	vadd.s32 v2, v3  }
0x24: {  	v5 =	vadd.s32 v0, v5  }
0x25: {  	v62 =	vadd.s32 v0, v6;
	[tilespmem:$0x10] =	vst v5  }
0x26: {  	[tilespmem:$0x20] =	vst v62;
	v4 =	vadd.s32 v0, v61  }
0x27: {  	[tilespmem:$0x30] =	vst v4  }
0x28: {  	[tilespmem:s29], [sflag:$0x1] =	stream.indirect_vreg.gather [hbm4b:s30+s4], $0x80, v3, vm0, $0xb8;
	[tilespmem:$0x10080] =	vst v63  }
0x29: {  	s29 =	simm.s32 $0x880  }
0x2a: {  	[tilespmem:s29], [sflag:$0x1] =	stream.indirect_vreg.gather [hbm4b:s5+s4], $0x80, v3, vm0, $0xb8;
	[tilespmem:$0x10080] =	vst v63  }
0x2b: {  	_ = 	snop  }
0x2c: {  	[tilespmem:s21], [sflag:$0x1] =	stream.indirect_vreg.gather [hbm4b:s6+s4], $0x80, v3, vm0, $0xb8;
	[tilespmem:$0x10080] =	vst v63  }
0x2d: {  	_ = 	snop  }
0x2e: {  	[tilespmem:s23], [sflag:$0x1] =	stream.indirect_vreg.gather [hbm4b:s7+s4], $0x80, v3, vm0, $0xb8;
	[tilespmem:$0x10080] =	vst v63  }
0x2f: {  	_ = 	snop  }
0x30: {  	[tilespmem:s24], [sflag:$0x1] =	stream.indirect_vreg.gather [hbm4b:s8+s4], $0x80, v3, vm0, $0xb8;
	[tilespmem:$0x10080] =	vst v63  }
0x31: {  	_ = 	snop  }
0x32: {  	[tilespmem:s26], [sflag:$0x1] =	stream.indirect_vreg.gather [hbm4b:s9+s4], $0x80, v3, vm0, $0xb8;
	[tilespmem:$0x10080] =	vst v63  }
0x33: {  	_ = 	snop  }
0x34: {  	[tilespmem:s28], [sflag:$0x1] =	stream.indirect_vreg.gather [hbm4b:s10+s4], $0x80, v3, vm0, $0xb8;
	[tilespmem:$0x10080] =	vst v63  }
0x35: {  	_ = 	snop  }
0x36: {  	[tilespmem:s0], [sflag:$0x1] =	stream.indirect_vreg.gather [hbm4b:s11+s4], $0x80, v3, vm0, $0xb8;
	[tilespmem:$0x10080] =	vst v63  }
0x37: {  	_ = 	snop  }
0x38: {  	[tilespmem:s1], [sflag:$0x1] =	stream.indirect_vreg.gather [hbm4b:s12+s4], $0x80, v3, vm0, $0xb8;
	[tilespmem:$0x10080] =	vst v63  }
0x39: {  	_ = 	snop  }
0x3a: {  	[tilespmem:s25], [sflag:$0x1] =	stream.indirect_vreg.gather [hbm4b:s13+s4], $0x80, v3, vm0, $0xb8;
	[tilespmem:$0x10080] =	vst v63  }
0x3b: {  	_ = 	snop  }
0x3c: {  	[tilespmem:s31], [sflag:$0x1] =	stream.indirect_vreg.gather [hbm4b:s14+s4], $0x80, v3, vm0, $0xb8;
	[tilespmem:$0x10080] =	vst v63  }
0x3d: {  	s26 =	simm.s32 $0x5880  }
0x3e: {  	[tilespmem:s26], [sflag:$0x1] =	stream.indirect_vreg.gather [hbm4b:s15+s4], $0x80, v3, vm0, $0xb8;
	[tilespmem:$0x10080] =	vst v63  }
0x3f: {  	s29 =	simm.s32 $0x6080  }
0x40: {  	[tilespmem:s29], [sflag:$0x1] =	stream.indirect_vreg.gather [hbm4b:s16+s4], $0x80, v3, vm0, $0xb8;
	[tilespmem:$0x10080] =	vst v63  }
0x41: {  	s1 =	simm.s32 $0x6880  }
0x42: {  	[tilespmem:s1], [sflag:$0x1] =	stream.indirect_vreg.gather [hbm4b:s17+s4], $0x80, v3, vm0, $0xb8;
	[tilespmem:$0x10080] =	vst v63  }
0x43: {  	s20 =	simm.s32 $0x7080  }
0x44: {  	[tilespmem:s20], [sflag:$0x1] =	stream.indirect_vreg.gather [hbm4b:s18+s4], $0x80, v3, vm0, $0xb8;
	[tilespmem:$0x10080] =	vst v63  }
0x45: {  	s21 =	simm.s32 $0x7880  }
0x46: {  	[tilespmem:s21], [sflag:$0x1] =	stream.indirect_vreg.gather [hbm4b:s19+s4], $0x80, v3, vm0, $0xb8;
	[tilespmem:$0x10080] =	vst v63  }
0x47: {  	v3 =	vld.msk [tilespmem:$0x8], $0xff;
	_ =	sdelay $0x4  }
0x48: {  	v63 =	vshll.u32 v3, $0x5  }
0x49: {  	v3 =	vand.u32 $0x7, v3;
	v4 =	vand.u32 $0xFFFFFF00, v63  }
0x4a: {  	v3 =	vor.u32 v3, v4  }
0x4b: {  	v3 =	vperm.xlane v3, v1;
	_ =	sdelay $0x1  }
0x4c: {  	v3 =	vadd.s32 v2, v3;
	_ =	sdelay $0x4  }
0x4d: {  	[tilespmem:s22], [sflag:$0x1] =	stream.indirect_vreg.gather [hbm4b:s30+s4], $0x80, v3, vm0, $0xb8;
	[tilespmem:$0x10080] =	vst v63  }
0x4e: {  	s23 =	simm.s32 $0x8880  }
0x4f: {  	[tilespmem:s23], [sflag:$0x1] =	stream.indirect_vreg.gather [hbm4b:s5+s4], $0x80, v3, vm0, $0xb8;
	[tilespmem:$0x10080] =	vst v63  }
0x50: {  	s24 =	simm.s32 $0x9080  }
0x51: {  	[tilespmem:s24], [sflag:$0x1] =	stream.indirect_vreg.gather [hbm4b:s6+s4], $0x80, v3, vm0, $0xb8;
	[tilespmem:$0x10080] =	vst v63  }
0x52: {  	s25 =	simm.s32 $0x9880  }
0x53: {  	[tilespmem:s25], [sflag:$0x1] =	stream.indirect_vreg.gather [hbm4b:s7+s4], $0x80, v3, vm0, $0xb8;
	[tilespmem:$0x10080] =	vst v63  }
0x54: {  	s26 =	simm.s32 $0xA080  }
0x55: {  	[tilespmem:s26], [sflag:$0x1] =	stream.indirect_vreg.gather [hbm4b:s8+s4], $0x80, v3, vm0, $0xb8;
	[tilespmem:$0x10080] =	vst v63  }
0x56: {  	s29 =	simm.s32 $0xA880  }
0x57: {  	[tilespmem:s29], [sflag:$0x1] =	stream.indirect_vreg.gather [hbm4b:s9+s4], $0x80, v3, vm0, $0xb8;
	[tilespmem:$0x10080] =	vst v63  }
0x58: {  	s1 =	simm.s32 $0xB080  }
0x59: {  	[tilespmem:s1], [sflag:$0x1] =	stream.indirect_vreg.gather [hbm4b:s10+s4], $0x80, v3, vm0, $0xb8;
	[tilespmem:$0x10080] =	vst v63  }
0x5a: {  	s20 =	simm.s32 $0xB880  }
0x5b: {  	[tilespmem:s20], [sflag:$0x1] =	stream.indirect_vreg.gather [hbm4b:s11+s4], $0x80, v3, vm0, $0xb8;
	[tilespmem:$0x10080] =	vst v63  }
0x5c: {  	s21 =	simm.s32 $0xC080  }
0x5d: {  	[tilespmem:s21], [sflag:$0x1] =	stream.indirect_vreg.gather [hbm4b:s12+s4], $0x80, v3, vm0, $0xb8;
	[tilespmem:$0x10080] =	vst v63  }
0x5e: {  	s22 =	simm.s32 $0xC880  }
0x5f: {  	[tilespmem:s22], [sflag:$0x1] =	stream.indirect_vreg.gather [hbm4b:s13+s4], $0x80, v3, vm0, $0xb8;
	[tilespmem:$0x10080] =	vst v63  }
0x60: {  	s23 =	simm.s32 $0xD080  }
0x61: {  	[tilespmem:s23], [sflag:$0x1] =	stream.indirect_vreg.gather [hbm4b:s14+s4], $0x80, v3, vm0, $0xb8;
	[tilespmem:$0x10080] =	vst v63  }
0x62: {  	s24 =	simm.s32 $0xD880  }
0x63: {  	[tilespmem:s24], [sflag:$0x1] =	stream.indirect_vreg.gather [hbm4b:s15+s4], $0x80, v3, vm0, $0xb8;
	[tilespmem:$0x10080] =	vst v63  }
0x64: {  	s28 =	simm.s32 $0x2080;
	s31 =	simm.s32 $0x3080;
	s25 =	simm.s32 $0xE080  }
0x65: {  	[tilespmem:s25], [sflag:$0x1] =	stream.indirect_vreg.gather [hbm4b:s16+s4], $0x80, v3, vm0, $0xb8;
	[tilespmem:$0x10080] =	vst v63  }
0x66: {  	s26 =	simm.s32 $0xE880;
	s29 =	simm.s32 $0xF080;
	s1 =	simm.s32 $0x4080  }
0x67: {  	[tilespmem:s26], [sflag:$0x1] =	stream.indirect_vreg.gather [hbm4b:s17+s4], $0x80, v3, vm0, $0xb8;
	[tilespmem:$0x10080] =	vst v63  }
0x68: {  	s20 =	rddreg [dreg:$0x7];
	s21 =	simm.s32 $0x0;
	s23 =	simm.s32 $0x5080  }
0x69: {  	[tilespmem:s29], [sflag:$0x1] =	stream.indirect_vreg.gather [hbm4b:s18+s4], $0x80, v3, vm0, $0xb8;
	[tilespmem:$0x10080] =	vst v63  }
0x6a: {  	s24 =	simm.s32 $0x1080;
	s25 =	simm.s32 $0xF880;
	s26 =	simm.s32 $0x4880  }
0x6b: {  	[tilespmem:s25], [sflag:$0x1] =	stream.indirect_vreg.gather [hbm4b:s19+s4], $0x80, v3, vm0, $0xb8;
	[tilespmem:$0x10080] =	vst v63  }
.LBB2_2:
0x6c: {  	_ =	swait.ge [sflag:s3], $0x8000  }
0x6d: {  	[sflag:s3] =	ssyncset.done $0x0  }
0x6e: {  	s22 =	sadd.s32 $0xFFFFF000, s20;
	s0 =	simm.s32 $0x80;
	[sflag:s3] =	ssyncadd.s32 $0xFFFF8000  }
0x6f: {  	[hbm4b:s22+s4] =	stream.linear.scatter [tilespmem:s0], [sflag:$0x2], $0x8000, $0x38;
	[tilespmem:$0x10080] =	vst v63  }
0x70: {  	_ =	swait.ge [sflag:s2], $0x8000  }
0x71: {  	[sflag:s2] =	ssyncset.done $0x0  }
0x72: {  	s22 =	sshra.s32 s21, $0x2;
	[sflag:s2] =	ssyncadd.s32 $0xFFFF8000  }
0x73: {  	v3 =	vld.msk [tilespmem:s22+$0x10], $0xff;
	_ =	sdelay $0x4  }
0x74: {  	v4 =	vshll.u32 v3, $0x5  }
0x75: {  	v3 =	vand.u32 $0x7, v3;
	v4 =	vand.u32 $0xFFFFFF00, v4  }
0x76: {  	v3 =	vor.u32 v3, v4  }
0x77: {  	v3 =	vperm.xlane v3, v1;
	_ =	sdelay $0x1  }
0x78: {  	v3 =	vadd.s32 v2, v3;
	_ =	sdelay $0x4  }
0x79: {  	[tilespmem:s0], [sflag:$0x1] =	stream.indirect_vreg.gather [hbm4b:s30+s4], $0x80, v3, vm0, $0xb8;
	[tilespmem:$0x10080] =	vst v63  }
0x7a: {  	s0 =	simm.s32 $0x880  }
0x7b: {  	[tilespmem:s0], [sflag:$0x1] =	stream.indirect_vreg.gather [hbm4b:s5+s4], $0x80, v3, vm0, $0xb8;
	[tilespmem:$0x10080] =	vst v63  }
0x7c: {  	_ = 	snop  }
0x7d: {  	[tilespmem:s24], [sflag:$0x1] =	stream.indirect_vreg.gather [hbm4b:s6+s4], $0x80, v3, vm0, $0xb8;
	[tilespmem:$0x10080] =	vst v63  }
0x7e: {  	s0 =	simm.s32 $0x1880  }
0x7f: {  	[tilespmem:s0], [sflag:$0x1] =	stream.indirect_vreg.gather [hbm4b:s7+s4], $0x80, v3, vm0, $0xb8;
	[tilespmem:$0x10080] =	vst v63  }
0x80: {  	_ = 	snop  }
0x81: {  	[tilespmem:s28], [sflag:$0x1] =	stream.indirect_vreg.gather [hbm4b:s8+s4], $0x80, v3, vm0, $0xb8;
	[tilespmem:$0x10080] =	vst v63  }
0x82: {  	s0 =	simm.s32 $0x2880  }
0x83: {  	[tilespmem:s0], [sflag:$0x1] =	stream.indirect_vreg.gather [hbm4b:s9+s4], $0x80, v3, vm0, $0xb8;
	[tilespmem:$0x10080] =	vst v63  }
0x84: {  	_ = 	snop  }
0x85: {  	[tilespmem:s31], [sflag:$0x1] =	stream.indirect_vreg.gather [hbm4b:s10+s4], $0x80, v3, vm0, $0xb8;
	[tilespmem:$0x10080] =	vst v63  }
0x86: {  	s0 =	simm.s32 $0x3880  }
0x87: {  	[tilespmem:s0], [sflag:$0x1] =	stream.indirect_vreg.gather [hbm4b:s11+s4], $0x80, v3, vm0, $0xb8;
	[tilespmem:$0x10080] =	vst v63  }
0x88: {  	_ = 	snop  }
0x89: {  	[tilespmem:s1], [sflag:$0x1] =	stream.indirect_vreg.gather [hbm4b:s12+s4], $0x80, v3, vm0, $0xb8;
	[tilespmem:$0x10080] =	vst v63  }
0x8a: {  	_ = 	snop  }
0x8b: {  	[tilespmem:s26], [sflag:$0x1] =	stream.indirect_vreg.gather [hbm4b:s13+s4], $0x80, v3, vm0, $0xb8;
	[tilespmem:$0x10080] =	vst v63  }
0x8c: {  	_ = 	snop  }
0x8d: {  	[tilespmem:s23], [sflag:$0x1] =	stream.indirect_vreg.gather [hbm4b:s14+s4], $0x80, v3, vm0, $0xb8;
	[tilespmem:$0x10080] =	vst v63  }
0x8e: {  	s0 =	simm.s32 $0x5880  }
0x8f: {  	[tilespmem:s0], [sflag:$0x1] =	stream.indirect_vreg.gather [hbm4b:s15+s4], $0x80, v3, vm0, $0xb8;
	[tilespmem:$0x10080] =	vst v63  }
0x90: {  	s0 =	simm.s32 $0x6080  }
0x91: {  	[tilespmem:s0], [sflag:$0x1] =	stream.indirect_vreg.gather [hbm4b:s16+s4], $0x80, v3, vm0, $0xb8;
	[tilespmem:$0x10080] =	vst v63  }
0x92: {  	s0 =	simm.s32 $0x6880  }
0x93: {  	[tilespmem:s0], [sflag:$0x1] =	stream.indirect_vreg.gather [hbm4b:s17+s4], $0x80, v3, vm0, $0xb8;
	[tilespmem:$0x10080] =	vst v63  }
0x94: {  	s0 =	simm.s32 $0x7080  }
0x95: {  	[tilespmem:s0], [sflag:$0x1] =	stream.indirect_vreg.gather [hbm4b:s18+s4], $0x80, v3, vm0, $0xb8;
	[tilespmem:$0x10080] =	vst v63  }
0x96: {  	s0 =	simm.s32 $0x7880  }
0x97: {  	[tilespmem:s0], [sflag:$0x1] =	stream.indirect_vreg.gather [hbm4b:s19+s4], $0x80, v3, vm0, $0xb8;
	[tilespmem:$0x10080] =	vst v63  }
0x98: {  	_ =	swait.ge [sflag:s3], $0x8000  }
0x99: {  	[sflag:s3] =	ssyncset.done $0x0  }
0x9a: {  	s0 =	simm.s32 $0x8080;
	[sflag:s3] =	ssyncadd.s32 $0xFFFF8000  }
0x9b: {  	[hbm4b:s20+s4] =	stream.linear.scatter [tilespmem:s0], [sflag:$0x2], $0x8000, $0x38;
	[tilespmem:$0x10080] =	vst v63  }
0x9c: {  	_ =	swait.ge [sflag:s2], $0x8000  }
0x9d: {  	[sflag:s2] =	ssyncset.done $0x0  }
0x9e: {  	[sflag:s2] =	ssyncadd.s32 $0xFFFF8000  }
0x9f: {  	v3 =	vld.msk [tilespmem:s22+$0x18], $0xff;
	_ =	sdelay $0x4  }
0xa0: {  	v63 =	vshll.u32 v3, $0x5  }
0xa1: {  	v3 =	vand.u32 $0x7, v3;
	v4 =	vand.u32 $0xFFFFFF00, v63  }
0xa2: {  	v3 =	vor.u32 v3, v4  }
0xa3: {  	v3 =	vperm.xlane v3, v1;
	_ =	sdelay $0x1  }
0xa4: {  	v3 =	vadd.s32 v2, v3;
	_ =	sdelay $0x4  }
0xa5: {  	[tilespmem:s0], [sflag:$0x1] =	stream.indirect_vreg.gather [hbm4b:s30+s4], $0x80, v3, vm0, $0xb8;
	[tilespmem:$0x10080] =	vst v63  }
0xa6: {  	s0 =	simm.s32 $0x8880  }
0xa7: {  	[tilespmem:s0], [sflag:$0x1] =	stream.indirect_vreg.gather [hbm4b:s5+s4], $0x80, v3, vm0, $0xb8;
	[tilespmem:$0x10080] =	vst v63  }
0xa8: {  	s0 =	simm.s32 $0x9080  }
0xa9: {  	[tilespmem:s0], [sflag:$0x1] =	stream.indirect_vreg.gather [hbm4b:s6+s4], $0x80, v3, vm0, $0xb8;
	[tilespmem:$0x10080] =	vst v63  }
0xaa: {  	s0 =	simm.s32 $0x9880  }
0xab: {  	[tilespmem:s0], [sflag:$0x1] =	stream.indirect_vreg.gather [hbm4b:s7+s4], $0x80, v3, vm0, $0xb8;
	[tilespmem:$0x10080] =	vst v63  }
0xac: {  	s0 =	simm.s32 $0xA080  }
0xad: {  	[tilespmem:s0], [sflag:$0x1] =	stream.indirect_vreg.gather [hbm4b:s8+s4], $0x80, v3, vm0, $0xb8;
	[tilespmem:$0x10080] =	vst v63  }
0xae: {  	s0 =	simm.s32 $0xA880  }
0xaf: {  	[tilespmem:s0], [sflag:$0x1] =	stream.indirect_vreg.gather [hbm4b:s9+s4], $0x80, v3, vm0, $0xb8;
	[tilespmem:$0x10080] =	vst v63  }
0xb0: {  	s0 =	simm.s32 $0xB080  }
0xb1: {  	[tilespmem:s0], [sflag:$0x1] =	stream.indirect_vreg.gather [hbm4b:s10+s4], $0x80, v3, vm0, $0xb8;
	[tilespmem:$0x10080] =	vst v63  }
0xb2: {  	s0 =	simm.s32 $0xB880  }
0xb3: {  	[tilespmem:s0], [sflag:$0x1] =	stream.indirect_vreg.gather [hbm4b:s11+s4], $0x80, v3, vm0, $0xb8;
	[tilespmem:$0x10080] =	vst v63  }
0xb4: {  	s0 =	simm.s32 $0xC080  }
0xb5: {  	[tilespmem:s0], [sflag:$0x1] =	stream.indirect_vreg.gather [hbm4b:s12+s4], $0x80, v3, vm0, $0xb8;
	[tilespmem:$0x10080] =	vst v63  }
0xb6: {  	s0 =	simm.s32 $0xC880  }
0xb7: {  	[tilespmem:s0], [sflag:$0x1] =	stream.indirect_vreg.gather [hbm4b:s13+s4], $0x80, v3, vm0, $0xb8;
	[tilespmem:$0x10080] =	vst v63  }
0xb8: {  	s0 =	simm.s32 $0xD080  }
0xb9: {  	[tilespmem:s0], [sflag:$0x1] =	stream.indirect_vreg.gather [hbm4b:s14+s4], $0x80, v3, vm0, $0xb8;
	[tilespmem:$0x10080] =	vst v63  }
0xba: {  	s0 =	simm.s32 $0xD880  }
0xbb: {  	[tilespmem:s0], [sflag:$0x1] =	stream.indirect_vreg.gather [hbm4b:s15+s4], $0x80, v3, vm0, $0xb8;
	[tilespmem:$0x10080] =	vst v63  }
0xbc: {  	s0 =	simm.s32 $0xE080  }
0xbd: {  	[tilespmem:s0], [sflag:$0x1] =	stream.indirect_vreg.gather [hbm4b:s16+s4], $0x80, v3, vm0, $0xb8;
	[tilespmem:$0x10080] =	vst v63  }
0xbe: {  	p0 =	sne.s32 s21, $0x80;
	s0 =	simm.s32 $0xE880  }
0xbf: {  	[tilespmem:s0], [sflag:$0x1] =	stream.indirect_vreg.gather [hbm4b:s17+s4], $0x80, v3, vm0, $0xb8;
	[tilespmem:$0x10080] =	vst v63  }
.Ltmp0:
0xc0: {  	_ = 	snop;
	(pc) =	sbr.rel @p0 .LBB2_2-.Ltmp0, $4  }
0xc1: {  	s29 =	simm.s32 $0x80;
	s0 =	simm.s32 $0xF080  }
0xc2: {  	[tilespmem:s0], [sflag:$0x1] =	stream.indirect_vreg.gather [hbm4b:s18+s4], $0x80, v3, vm0, $0xb8;
	[tilespmem:$0x10080] =	vst v63  }
0xc3: {  	s21 =	sadd.s32 $0x40, s21;
	s20 =	sadd.s32 $0x2000, s20;
	s22 =	simm.s32 $0x8080  }
0xc4: {  	[tilespmem:s25], [sflag:$0x1] =	stream.indirect_vreg.gather [hbm4b:s19+s4], $0x80, v3, vm0, $0xb8;
	[tilespmem:$0x10080] =	vst v63  }
0xc5: {  	_ =	swait.ge [sflag:s3], $0x8000  }
0xc6: {  	[sflag:s3] =	ssyncset.done $0x0  }
0xc7: {  	s20 =	rddreg [dreg:$0x4];
	[sflag:s3] =	ssyncadd.s32 $0xFFFF8000  }
0xc8: {  	[hbm4b:s20+s4] =	stream.linear.scatter [tilespmem:s29], [sflag:$0x2], $0x8000, $0x38;
	[tilespmem:$0x10080] =	vst v63  }
0xc9: {  	_ =	swait.ge [sflag:s3], $0x8000  }
0xca: {  	[sflag:s3] =	ssyncset.done $0x0  }
0xcb: {  	s25 =	rddreg [dreg:$0x5];
	[sflag:s3] =	ssyncadd.s32 $0xFFFF8000  }
0xcc: {  	[hbm4b:s25+s4] =	stream.linear.scatter [tilespmem:s22], [sflag:$0x2], $0x8000, $0x38;
	[tilespmem:$0x10080] =	vst v63  }
0xcd: {  	_ =	swait.ge [sflag:s2], $0x8000  }
0xce: {  	[sflag:s2] =	ssyncset.done $0x0  }
0xcf: {  	[sflag:s2] =	ssyncadd.s32 $0xFFFF8000  }
0xd0: {  	_ =	swait.ge [sflag:s2], $0x8000  }
0xd1: {  	s0 =	rddreg [dreg:$0x8]  }
0xd2: {  	s26 =	rddreg [dreg:$0x6];
	s0 =	sadd.s32 $0x1, s0  }
0xd3: {  	p0 =	sne.s32 s0, s26  }
.Ltmp1:
0xd4: {  	_ = 	snop;
	(pc) =	sbr.rel @p0 .LBB2_1-.Ltmp1, $4  }
0xd5: {  	s21 =	simm.s32 $0x1080;
	s23 =	simm.s32 $0x1880;
	s24 =	simm.s32 $0x2080  }
0xd6: {  	s28 =	simm.s32 $0x3080;
	s1 =	simm.s32 $0x4080;
	[sflag:s2] =	ssyncset.done $0x0  }
0xd7: {  	s31 =	simm.s32 $0x5080;
	s25 =	simm.s32 $0x4880;
	[sflag:s2] =	ssyncadd.s32 $0xFFFF8000  }
0xd8: {  	[dreg:$0x8] =	wrdreg s0;
	s26 =	simm.s32 $0x2880;
	s0 =	simm.s32 $0x3880  }
0xd9: {  	_ =	sfence.sel $0x180000  }
0xda: {  	[bflag:$0x0] =	sbarrier.arrive $0xFFFF  }
0xdb: {  	_ =	strace $0x90000047  }
0xdc: {  	s0 =	stileid.u32;
	[bflag:$0x2] =	sbarrier.arrive $0xFFFF  }
0xdd: {  	p0 =	sne.s32 s0, $0x0;
	s0 =	rddreg [dreg:$0x3]  }
0xde: {  	s0 =	sadd.s32 @!p0 $0x100000, s0  }
0xdf: {  	[sflag:s0] =	ssyncadd.tile.s32 @!p0 $0x1;
	_ =	shalt  }
.Lfunc_end2:
_tile_overlayer_lowered:
.L_overlay_start_2:
0xe0: {  	(tag) =	ssettag $0x2  }
0xe1: {  	s0 =	rddreg [dreg:$0x0];
	s2 =	stileid.u32  }
0xe2: {  	s1 =	rddreg [dreg:$0x1];
	p0 =	sne.s32 s2, $0x0  }
0xe3: {  	s3 =	rddreg [dreg:$0x2];
	[bflag:$0x3] =	sbarrier.arrive $0xFFFF;
	s2 =	simm.s32 @!p0 $0x1C03  }
0xe4: {  	[timem:s3], [sflag:s2] =	dma.local @!p0 [hbm:s0], s1  }
0xe5: {  	s0 =	simm.s32 @!p0 $0x3  }
0xe6: {  	_ =	swait.ge @!p0 [sflag:s0], s1  }
0xe7: {  	s1 =	ssub.s32 @!p0 $0x0, s1;
	[sflag:s0] =	ssyncset.done @!p0 $0x0  }
0xe8: {  	[sflag:s0] =	ssyncadd.s32 @!p0 s1  }
0xe9: {  	[bflag:$0x3] =	sbarrier.arrive $0xFFFF  }
0xea: {  	_ =	shalt  }

</sc_bundles>
